<compile_context>
chip_gen: v7x
topology: tpu7x:2x2x1
jax: 0.10.2.dev20260603
libtpu: 0.0.44.dev20260713+nightly
codegen_flags: <defaults>
</compile_context>

<pallas_src>
import functools

import jax
import jax.numpy as jnp
from jax import lax
from jax.experimental import pallas as pl
from jax.experimental.pallas import tpu as pltpu
from jax.experimental.pallas import tpu_sc as plsc

N = 10000
D = 128
E = 320000
NC = 2
NS = 16
NW = NC * NS
K = 128
NCHUNK = 80
E_PAD = NW * NCHUNK * K
N_PAD = 10112
ROWS_PER_TILE = N_PAD // NS


def _sc_aggregate(x, src3d, dst3d, zeros):
    mesh = plsc.VectorSubcoreMesh(core_axis_name="c", subcore_axis_name="s")

    @functools.partial(
        pl.kernel,
        mesh=mesh,
        out_type=jax.ShapeDtypeStruct((NC, N_PAD, D), jnp.float32),
        scratch_types=[
            pltpu.VMEM((NCHUNK, K), jnp.int32),
            pltpu.VMEM((NCHUNK, K), jnp.int32),
            pltpu.VMEM((K, D), jnp.float32),
            pltpu.VMEM_SHARED((N_PAD, D), jnp.float32),
            pltpu.SemaphoreType.DMA,
        ],
    )
    def k(x_hbm, src_hbm, dst_hbm, zeros_hbm, out_hbm, src_v, dst_v, buf, acc, sem):
        c = lax.axis_index("c")
        s = lax.axis_index("s")
        wid = c * NS + s
        pltpu.sync_copy(src_hbm.at[wid], src_v)
        pltpu.sync_copy(dst_hbm.at[wid], dst_v)
        pltpu.sync_copy(
            zeros_hbm.at[pl.ds(s * ROWS_PER_TILE, ROWS_PER_TILE)],
            acc.at[pl.ds(s * ROWS_PER_TILE, ROWS_PER_TILE)],
        )
        plsc.subcore_barrier()

        def body(j, carry):
            pltpu.async_copy(x_hbm.at[src_v.at[j]], buf, sem).wait()
            pltpu.sync_copy(buf, acc.at[dst_v.at[j]], add=True)
            return carry

        lax.fori_loop(0, NCHUNK, body, 0)
        plsc.subcore_barrier()
        pltpu.sync_copy(
            acc.at[pl.ds(s * ROWS_PER_TILE, ROWS_PER_TILE)],
            out_hbm.at[c, pl.ds(s * ROWS_PER_TILE, ROWS_PER_TILE)],
        )

    return k(x, src3d, dst3d, zeros)


def _tc_body(p_ref, x_ref, wlt_ref, bl_ref, wrt_ref, gnw_ref, gnb_ref,
             gnms_ref, w1t_ref, b1_ref, w2t_ref, b2_ref, o_ref):
    agg = p_ref[0, :N, :] + p_ref[1, :N, :]
    h = (jnp.dot(agg, wlt_ref[...], preferred_element_type=jnp.float32)
         + bl_ref[...]
         + jnp.dot(x_ref[...], wrt_ref[...], preferred_element_type=jnp.float32))
    mean = jnp.mean(h, axis=0, keepdims=True)
    cen = h - gnms_ref[...] * mean
    var = jnp.mean(cen * cen, axis=0, keepdims=True)
    inv = lax.rsqrt(var + 1e-5)
    h = gnw_ref[...] * cen * inv + gnb_ref[...]
    h = jnp.maximum(h, 0.0)
    h = jnp.maximum(
        jnp.dot(h, w1t_ref[...], preferred_element_type=jnp.float32) + b1_ref[...],
        0.0)
    o_ref[...] = (jnp.dot(h, w2t_ref[...], preferred_element_type=jnp.float32)
                  + b2_ref[...])


def kernel(x, edge_index, Wl, bl, Wr, gn_w, gn_b, gn_ms, W1, b1, W2, b2):
    pad = E_PAD - E
    pad_src = jnp.arange(pad, dtype=jnp.int32) % N
    src3d = jnp.concatenate([edge_index[0], pad_src]).reshape(NW, NCHUNK, K)
    pad_dst = N + (jnp.arange(pad, dtype=jnp.int32) % (N_PAD - N))
    dst3d = jnp.concatenate([edge_index[1], pad_dst]).reshape(NW, NCHUNK, K)
    zeros = jnp.zeros((N_PAD, D), dtype=jnp.float32)
    partial = _sc_aggregate(x, src3d, dst3d, zeros)

    return pl.pallas_call(
        _tc_body,
        out_shape=jax.ShapeDtypeStruct((N, D), jnp.float32),
    )(partial, x, Wl.T, bl.reshape(1, D), Wr.T,
      gn_w.reshape(1, D), gn_b.reshape(1, D), gn_ms.reshape(1, D),
      W1.T, b1.reshape(1, D), W2.T, b2.reshape(1, D))

# --- scband reference (transcript-rebuilt; emitter-appended) ---
"""Pipeline reference for scband-graph-sage-34308198760737 (READ-ONLY COPY).

The authoritative reference and input builder live on the scoring server;
editing this copy changes nothing except your own understanding.
"""

import jax, jax.numpy as jnp
import numpy as np

N_NODES = 10000
N_EDGES = 320000
D = 128


def setup_inputs(seed: int = 0) -> dict:
    key = jax.random.key(seed)
    ks = jax.random.split(key, 12)
    x = jax.random.normal(ks[0], (N_NODES, D), dtype=jnp.float32)
    edge_index = jax.random.randint(ks[1], (2, N_EDGES), 0, N_NODES, dtype=jnp.int32)
    s = 1.0 / np.sqrt(D)
    # SAGEConv(aggr='sum'): lin_l (with bias) applied to aggregated neighbors, lin_r (no bias) applied to root
    Wl = jax.random.uniform(ks[2], (D, D), dtype=jnp.float32, minval=-s, maxval=s)
    bl = jax.random.uniform(ks[3], (D,), dtype=jnp.float32, minval=-s, maxval=s)
    Wr = jax.random.uniform(ks[4], (D, D), dtype=jnp.float32, minval=-s, maxval=s)
    # GraphNorm params (weight=1, bias=0, mean_scale=1 at init)
    gn_w = jnp.ones((D,), dtype=jnp.float32)
    gn_b = jnp.zeros((D,), dtype=jnp.float32)
    gn_ms = jnp.ones((D,), dtype=jnp.float32)
    # Linear layers: Linear(128,128) then Linear(128,128)
    W1 = jax.random.uniform(ks[5], (D, D), dtype=jnp.float32, minval=-s, maxval=s)
    b1 = jax.random.uniform(ks[6], (D,), dtype=jnp.float32, minval=-s, maxval=s)
    W2 = jax.random.uniform(ks[7], (D, D), dtype=jnp.float32, minval=-s, maxval=s)
    b2 = jax.random.uniform(ks[8], (D,), dtype=jnp.float32, minval=-s, maxval=s)
    return {"x": x, "edge_index": edge_index, "Wl": Wl, "bl": bl, "Wr": Wr,
            "gn_w": gn_w, "gn_b": gn_b, "gn_ms": gn_ms,
            "W1": W1, "b1": b1, "W2": W2, "b2": b2}


def _sage_conv_sum(x, edge_index, Wl, bl, Wr):
    src = edge_index[0]
    dst = edge_index[1]
    msg = jnp.take(x, src, axis=0)
    agg = jax.ops.segment_sum(msg, dst, num_segments=x.shape[0])
    return agg @ Wl.T + bl + x @ Wr.T


def _graph_norm(x, w, b, ms, eps=1e-5):
    # single-graph GraphNorm: per-feature mean/var over all nodes
    mean = jnp.mean(x, axis=0, keepdims=True)
    out = x - ms * mean
    var = jnp.mean(out * out, axis=0, keepdims=True)
    std = jnp.sqrt(var + eps)
    return w * out / std + b


def reference(x, edge_index, Wl, bl, Wr, gn_w, gn_b, gn_ms, W1, b1, W2, b2):
    # zip(convs, batch_norms) iterates gnn_layers-1 = 1 time (conv[0] + norm[0])
    h = _sage_conv_sum(x, edge_index, Wl, bl, Wr)
    h = _graph_norm(h, gn_w, gn_b, gn_ms)
    h = jax.nn.relu(h)
    # linear layers: relu on all but last (dropout_rate=None -> no dropout)
    h = jax.nn.relu(h @ W1.T + b1)
    out = h @ W2.T + b2
    return out

if __name__ == "__main__":
    import jax
    _d = setup_inputs()
    print(jax.jit(kernel)(*tuple(_d.values())))

</pallas_src>

<mosaic_0001>
#map = affine_map<(d0, d1) -> (0, 0)>
#map1 = affine_map<(d0, d1) -> (0, 0, 0)>
module attributes {stable_mosaic.version = 14 : i64} {
  func.func @k(%arg0: i32, %arg1: i32, %arg2: memref<10000x128xf32, #tpu.memory_space<hbm>>, %arg3: memref<32x80x128xi32, #tpu.memory_space<hbm>>, %arg4: memref<32x80x128xi32, #tpu.memory_space<hbm>>, %arg5: memref<10112x128xf32, #tpu.memory_space<hbm>>, %arg6: memref<2x10112x128xf32, #tpu.memory_space<hbm>>, %arg7: memref<80x128xi32, #tpu.memory_space<vmem>>, %arg8: memref<80x128xi32, #tpu.memory_space<vmem>>, %arg9: memref<128x128xf32, #tpu.memory_space<vmem>>, %arg10: memref<10112x128xf32, #tpu.memory_space<vmem_shared>>, %arg11: memref<!tpu.dma_semaphore, #tpu.memory_space<semaphore_mem>>) attributes {dimension_semantics = [#tpu.dimension_semantics<core_parallel>, #tpu.dimension_semantics<subcore_parallel>], iteration_bounds = array<i64: 2, 16>, scalar_prefetch = 0 : i64, scratch_operands = 5 : i64, tpu.core_type = #tpu.core_type<sc_vector_subcore>, window_params = [{transform_indices = #map}, {transform_indices = #map1}, {transform_indices = #map1}, {transform_indices = #map}, {transform_indices = #map1}]} {
    %mul3A = arith.constant 16 : i32
    %mul3A_0 = arith.muli %arg0, %mul3A : i32
    %add3A = arith.addi %mul3A_0, %arg1 : i32
    "tpu.region"() ({
      %run_scoped3A = tpu.sem_alloc : memref<!tpu.dma_semaphore, #tpu.memory_space<semaphore_mem>>
      %dma_start3A = arith.constant 0 : i32
      %dma_start3A_15 = arith.constant 0 : i32
      %dma_start3A_16 = tpu.memref_slice %arg3[%add3A, %dma_start3A, %dma_start3A_15] : memref<32x80x128xi32, #tpu.memory_space<hbm>> -> memref<1x80x128xi32, #tpu.memory_space<hbm>>
      %dma_start3A_17 = tpu.memref_squeeze %dma_start3A_16 : memref<1x80x128xi32, #tpu.memory_space<hbm>> -> memref<80x128xi32, #tpu.memory_space<hbm>>
      %dma_start3A_18 = arith.constant 0 : i32
      %dma_start3A_19 = arith.constant 0 : i32
      %dma_start3A_20 = tpu.memref_slice %arg3[%add3A, %dma_start3A_18, %dma_start3A_19] : memref<32x80x128xi32, #tpu.memory_space<hbm>> -> memref<1x80x128xi32, #tpu.memory_space<hbm>>
      %dma_start3A_21 = tpu.memref_squeeze %dma_start3A_20 : memref<1x80x128xi32, #tpu.memory_space<hbm>> -> memref<80x128xi32, #tpu.memory_space<hbm>>
      tpu.enqueue_dma source(%dma_start3A_21 : memref<80x128xi32, #tpu.memory_space<hbm>>) target(%arg7 : memref<80x128xi32, #tpu.memory_space<vmem>>) target_semaphore(%run_scoped3A : memref<!tpu.dma_semaphore, #tpu.memory_space<semaphore_mem>>)
      %dma_wait3A = arith.constant 0 : i32
      %dma_wait3A_22 = arith.constant 0 : i32
      %dma_wait3A_23 = tpu.memref_slice %arg3[%add3A, %dma_wait3A, %dma_wait3A_22] : memref<32x80x128xi32, #tpu.memory_space<hbm>> -> memref<1x80x128xi32, #tpu.memory_space<hbm>>
      %dma_wait3A_24 = tpu.memref_squeeze %dma_wait3A_23 : memref<1x80x128xi32, #tpu.memory_space<hbm>> -> memref<80x128xi32, #tpu.memory_space<hbm>>
      %dma_wait3A_25 = arith.constant 0 : i32
      %dma_wait3A_26 = arith.constant 0 : i32
      %dma_wait3A_27 = tpu.memref_slice %arg3[%add3A, %dma_wait3A_25, %dma_wait3A_26] : memref<32x80x128xi32, #tpu.memory_space<hbm>> -> memref<1x80x128xi32, #tpu.memory_space<hbm>>
      %dma_wait3A_28 = tpu.memref_squeeze %dma_wait3A_27 : memref<1x80x128xi32, #tpu.memory_space<hbm>> -> memref<80x128xi32, #tpu.memory_space<hbm>>
      tpu.wait_dma2 semaphore(%run_scoped3A : memref<!tpu.dma_semaphore, #tpu.memory_space<semaphore_mem>>) src(%dma_wait3A_28 : memref<80x128xi32, #tpu.memory_space<hbm>>) dst(%arg7 : memref<80x128xi32, #tpu.memory_space<vmem>>)
      tpu.yield
    }) : () -> ()
    "tpu.region"() ({
      %run_scoped3A = tpu.sem_alloc : memref<!tpu.dma_semaphore, #tpu.memory_space<semaphore_mem>>
      %dma_start3A = arith.constant 0 : i32
      %dma_start3A_15 = arith.constant 0 : i32
      %dma_start3A_16 = tpu.memref_slice %arg4[%add3A, %dma_start3A, %dma_start3A_15] : memref<32x80x128xi32, #tpu.memory_space<hbm>> -> memref<1x80x128xi32, #tpu.memory_space<hbm>>
      %dma_start3A_17 = tpu.memref_squeeze %dma_start3A_16 : memref<1x80x128xi32, #tpu.memory_space<hbm>> -> memref<80x128xi32, #tpu.memory_space<hbm>>
      %dma_start3A_18 = arith.constant 0 : i32
      %dma_start3A_19 = arith.constant 0 : i32
      %dma_start3A_20 = tpu.memref_slice %arg4[%add3A, %dma_start3A_18, %dma_start3A_19] : memref<32x80x128xi32, #tpu.memory_space<hbm>> -> memref<1x80x128xi32, #tpu.memory_space<hbm>>
      %dma_start3A_21 = tpu.memref_squeeze %dma_start3A_20 : memref<1x80x128xi32, #tpu.memory_space<hbm>> -> memref<80x128xi32, #tpu.memory_space<hbm>>
      tpu.enqueue_dma source(%dma_start3A_21 : memref<80x128xi32, #tpu.memory_space<hbm>>) target(%arg8 : memref<80x128xi32, #tpu.memory_space<vmem>>) target_semaphore(%run_scoped3A : memref<!tpu.dma_semaphore, #tpu.memory_space<semaphore_mem>>)
      %dma_wait3A = arith.constant 0 : i32
      %dma_wait3A_22 = arith.constant 0 : i32
      %dma_wait3A_23 = tpu.memref_slice %arg4[%add3A, %dma_wait3A, %dma_wait3A_22] : memref<32x80x128xi32, #tpu.memory_space<hbm>> -> memref<1x80x128xi32, #tpu.memory_space<hbm>>
      %dma_wait3A_24 = tpu.memref_squeeze %dma_wait3A_23 : memref<1x80x128xi32, #tpu.memory_space<hbm>> -> memref<80x128xi32, #tpu.memory_space<hbm>>
      %dma_wait3A_25 = arith.constant 0 : i32
      %dma_wait3A_26 = arith.constant 0 : i32
      %dma_wait3A_27 = tpu.memref_slice %arg4[%add3A, %dma_wait3A_25, %dma_wait3A_26] : memref<32x80x128xi32, #tpu.memory_space<hbm>> -> memref<1x80x128xi32, #tpu.memory_space<hbm>>
      %dma_wait3A_28 = tpu.memref_squeeze %dma_wait3A_27 : memref<1x80x128xi32, #tpu.memory_space<hbm>> -> memref<80x128xi32, #tpu.memory_space<hbm>>
      tpu.wait_dma2 semaphore(%run_scoped3A : memref<!tpu.dma_semaphore, #tpu.memory_space<semaphore_mem>>) src(%dma_wait3A_28 : memref<80x128xi32, #tpu.memory_space<hbm>>) dst(%arg8 : memref<80x128xi32, #tpu.memory_space<vmem>>)
      tpu.yield
    }) : () -> ()
    %mul3A_1 = arith.constant 632 : i32
    %mul3A_2 = arith.muli %arg1, %mul3A_1 : i32
    %mul3A_3 = arith.constant 632 : i32
    %mul3A_4 = arith.muli %arg1, %mul3A_3 : i32
    "tpu.region"() ({
      %run_scoped3A = tpu.sem_alloc : memref<!tpu.dma_semaphore, #tpu.memory_space<semaphore_mem>>
      %dma_start3A = arith.constant 0 : i32
      %dma_start3A_15 = tpu.memref_slice %arg10[%mul3A_4, %dma_start3A] : memref<10112x128xf32, #tpu.memory_space<vmem_shared>> -> memref<632x128xf32, #tpu.memory_space<vmem_shared>>
      %dma_start3A_16 = arith.constant 0 : i32
      %dma_start3A_17 = tpu.memref_slice %arg5[%mul3A_2, %dma_start3A_16] : memref<10112x128xf32, #tpu.memory_space<hbm>> -> memref<632x128xf32, #tpu.memory_space<hbm>>
      tpu.enqueue_dma source(%dma_start3A_17 : memref<632x128xf32, #tpu.memory_space<hbm>>) target(%dma_start3A_15 : memref<632x128xf32, #tpu.memory_space<vmem_shared>>) target_semaphore(%run_scoped3A : memref<!tpu.dma_semaphore, #tpu.memory_space<semaphore_mem>>)
      %dma_wait3A = arith.constant 0 : i32
      %dma_wait3A_18 = tpu.memref_slice %arg10[%mul3A_4, %dma_wait3A] : memref<10112x128xf32, #tpu.memory_space<vmem_shared>> -> memref<632x128xf32, #tpu.memory_space<vmem_shared>>
      %dma_wait3A_19 = arith.constant 0 : i32
      %dma_wait3A_20 = tpu.memref_slice %arg5[%mul3A_2, %dma_wait3A_19] : memref<10112x128xf32, #tpu.memory_space<hbm>> -> memref<632x128xf32, #tpu.memory_space<hbm>>
      tpu.wait_dma2 semaphore(%run_scoped3A : memref<!tpu.dma_semaphore, #tpu.memory_space<semaphore_mem>>) src(%dma_wait3A_20 : memref<632x128xf32, #tpu.memory_space<hbm>>) dst(%dma_wait3A_18 : memref<632x128xf32, #tpu.memory_space<vmem_shared>>)
      tpu.yield
    }) : () -> ()
    %barrier3A = arith.constant 0 : index
    tpu.barrier barrier_id(%barrier3A)
    %scan3A = arith.constant 0 : i32
    %scan3A_5 = arith.constant 0 : i32
    %scan3A_6 = arith.constant 80 : i32
    %scan3A_7 = arith.addi %scan3A_5, %scan3A_6 : i32
    %scan3A_8 = arith.constant 1 : i32
    scf.for %scan3A_15 = %scan3A_5 to %scan3A_7 step %scan3A_8  : i32 {
      %dma_start3A = arith.constant 0 : i32
      %dma_start3A_16 = tpu.memref_slice %arg7[%scan3A_15, %dma_start3A] : memref<80x128xi32, #tpu.memory_space<vmem>> -> memref<1x128xi32, #tpu.memory_space<vmem>>
      %dma_start3A_17 = tpu.memref_squeeze %dma_start3A_16 : memref<1x128xi32, #tpu.memory_space<vmem>> -> memref<128xi32, #tpu.memory_space<vmem>>
      %dma_start3A_18 = arith.constant 0 : i32
      %dma_start3A_19 = arith.constant 0 : i32
      %dma_start3A_20 = tpu.memref_slice %arg2[%dma_start3A_18, %dma_start3A_19] : memref<10000x128xf32, #tpu.memory_space<hbm>> -> memref<10000x128xf32, #tpu.memory_space<hbm>>
      tpu.enqueue_indirect_dma source(%dma_start3A_20 : memref<10000x128xf32, #tpu.memory_space<hbm>>) target(%arg9 : memref<128x128xf32, #tpu.memory_space<vmem>>) offsets(%dma_start3A_17 : memref<128xi32, #tpu.memory_space<vmem>>) semaphore(%arg11 : memref<!tpu.dma_semaphore, #tpu.memory_space<semaphore_mem>>)
      %dma_wait3A = arith.constant 0 : i32
      %dma_wait3A_21 = tpu.memref_slice %arg7[%scan3A_15, %dma_wait3A] : memref<80x128xi32, #tpu.memory_space<vmem>> -> memref<1x128xi32, #tpu.memory_space<vmem>>
      %dma_wait3A_22 = tpu.memref_squeeze %dma_wait3A_21 : memref<1x128xi32, #tpu.memory_space<vmem>> -> memref<128xi32, #tpu.memory_space<vmem>>
      %dma_wait3A_23 = arith.constant 0 : i32
      %dma_wait3A_24 = arith.constant 0 : i32
      %dma_wait3A_25 = tpu.memref_slice %arg2[%dma_wait3A_23, %dma_wait3A_24] : memref<10000x128xf32, #tpu.memory_space<hbm>> -> memref<10000x128xf32, #tpu.memory_space<hbm>>
      tpu.wait_indirect_dma semaphore(%arg11 : memref<!tpu.dma_semaphore, #tpu.memory_space<semaphore_mem>>) src(%dma_wait3A_25 : memref<10000x128xf32, #tpu.memory_space<hbm>>) dst(%arg9 : memref<128x128xf32, #tpu.memory_space<vmem>>)
      "tpu.region"() ({
        %run_scoped3A = tpu.sem_alloc : memref<!tpu.dma_semaphore, #tpu.memory_space<semaphore_mem>>
        %dma_start3A_26 = arith.constant 0 : i32
        %dma_start3A_27 = tpu.memref_slice %arg8[%scan3A_15, %dma_start3A_26] : memref<80x128xi32, #tpu.memory_space<vmem>> -> memref<1x128xi32, #tpu.memory_space<vmem>>
        %dma_start3A_28 = tpu.memref_squeeze %dma_start3A_27 : memref<1x128xi32, #tpu.memory_space<vmem>> -> memref<128xi32, #tpu.memory_space<vmem>>
        %dma_start3A_29 = arith.constant 0 : i32
        %dma_start3A_30 = arith.constant 0 : i32
        %dma_start3A_31 = tpu.memref_slice %arg10[%dma_start3A_29, %dma_start3A_30] : memref<10112x128xf32, #tpu.memory_space<vmem_shared>> -> memref<10112x128xf32, #tpu.memory_space<vmem_shared>>
        tpu.enqueue_indirect_dma source(%arg9 : memref<128x128xf32, #tpu.memory_space<vmem>>) target(%dma_start3A_31 : memref<10112x128xf32, #tpu.memory_space<vmem_shared>>) offsets(%dma_start3A_28 : memref<128xi32, #tpu.memory_space<vmem>>) semaphore(%run_scoped3A : memref<!tpu.dma_semaphore, #tpu.memory_space<semaphore_mem>>) {add = true}
        %dma_wait3A_32 = arith.constant 0 : i32
        %dma_wait3A_33 = tpu.memref_slice %arg8[%scan3A_15, %dma_wait3A_32] : memref<80x128xi32, #tpu.memory_space<vmem>> -> memref<1x128xi32, #tpu.memory_space<vmem>>
        %dma_wait3A_34 = tpu.memref_squeeze %dma_wait3A_33 : memref<1x128xi32, #tpu.memory_space<vmem>> -> memref<128xi32, #tpu.memory_space<vmem>>
        %dma_wait3A_35 = arith.constant 0 : i32
        %dma_wait3A_36 = arith.constant 0 : i32
        %dma_wait3A_37 = tpu.memref_slice %arg10[%dma_wait3A_35, %dma_wait3A_36] : memref<10112x128xf32, #tpu.memory_space<vmem_shared>> -> memref<10112x128xf32, #tpu.memory_space<vmem_shared>>
        tpu.wait_indirect_dma semaphore(%run_scoped3A : memref<!tpu.dma_semaphore, #tpu.memory_space<semaphore_mem>>) src(%arg9 : memref<128x128xf32, #tpu.memory_space<vmem>>) dst(%dma_wait3A_37 : memref<10112x128xf32, #tpu.memory_space<vmem_shared>>)
        tpu.yield
      }) : () -> ()
    }
    %scan3A_9 = arith.constant 80 : i32
    %barrier3A_10 = arith.constant 0 : index
    tpu.barrier barrier_id(%barrier3A_10)
    %mul3A_11 = arith.constant 632 : i32
    %mul3A_12 = arith.muli %arg1, %mul3A_11 : i32
    %mul3A_13 = arith.constant 632 : i32
    %mul3A_14 = arith.muli %arg1, %mul3A_13 : i32
    "tpu.region"() ({
      %run_scoped3A = tpu.sem_alloc : memref<!tpu.dma_semaphore, #tpu.memory_space<semaphore_mem>>
      %dma_start3A = arith.constant 0 : i32
      %dma_start3A_15 = tpu.memref_slice %arg6[%arg0, %mul3A_14, %dma_start3A] : memref<2x10112x128xf32, #tpu.memory_space<hbm>> -> memref<1x632x128xf32, #tpu.memory_space<hbm>>
      %dma_start3A_16 = tpu.memref_squeeze %dma_start3A_15 : memref<1x632x128xf32, #tpu.memory_space<hbm>> -> memref<632x128xf32, #tpu.memory_space<hbm>>
      %dma_start3A_17 = arith.constant 0 : i32
      %dma_start3A_18 = tpu.memref_slice %arg10[%mul3A_12, %dma_start3A_17] : memref<10112x128xf32, #tpu.memory_space<vmem_shared>> -> memref<632x128xf32, #tpu.memory_space<vmem_shared>>
      tpu.enqueue_dma source(%dma_start3A_18 : memref<632x128xf32, #tpu.memory_space<vmem_shared>>) target(%dma_start3A_16 : memref<632x128xf32, #tpu.memory_space<hbm>>) target_semaphore(%run_scoped3A : memref<!tpu.dma_semaphore, #tpu.memory_space<semaphore_mem>>)
      %dma_wait3A = arith.constant 0 : i32
      %dma_wait3A_19 = tpu.memref_slice %arg6[%arg0, %mul3A_14, %dma_wait3A] : memref<2x10112x128xf32, #tpu.memory_space<hbm>> -> memref<1x632x128xf32, #tpu.memory_space<hbm>>
      %dma_wait3A_20 = tpu.memref_squeeze %dma_wait3A_19 : memref<1x632x128xf32, #tpu.memory_space<hbm>> -> memref<632x128xf32, #tpu.memory_space<hbm>>
      %dma_wait3A_21 = arith.constant 0 : i32
      %dma_wait3A_22 = tpu.memref_slice %arg10[%mul3A_12, %dma_wait3A_21] : memref<10112x128xf32, #tpu.memory_space<vmem_shared>> -> memref<632x128xf32, #tpu.memory_space<vmem_shared>>
      tpu.wait_dma2 semaphore(%run_scoped3A : memref<!tpu.dma_semaphore, #tpu.memory_space<semaphore_mem>>) src(%dma_wait3A_22 : memref<632x128xf32, #tpu.memory_space<vmem_shared>>) dst(%dma_wait3A_20 : memref<632x128xf32, #tpu.memory_space<hbm>>)
      tpu.yield
    }) : () -> ()
    return
  }
}

module attributes {stable_mosaic.version = 14 : i64} {
  func.func @_tc_body(%arg0: memref<2x10112x128xf32, #tpu.memory_space<vmem>>, %arg1: memref<10000x128xf32, #tpu.memory_space<vmem>>, %arg2: memref<128x128xf32, #tpu.memory_space<vmem>>, %arg3: memref<1x128xf32, #tpu.memory_space<vmem>>, %arg4: memref<128x128xf32, #tpu.memory_space<vmem>>, %arg5: memref<1x128xf32, #tpu.memory_space<vmem>>, %arg6: memref<1x128xf32, #tpu.memory_space<vmem>>, %arg7: memref<1x128xf32, #tpu.memory_space<vmem>>, %arg8: memref<128x128xf32, #tpu.memory_space<vmem>>, %arg9: memref<1x128xf32, #tpu.memory_space<vmem>>, %arg10: memref<128x128xf32, #tpu.memory_space<vmem>>, %arg11: memref<1x128xf32, #tpu.memory_space<vmem>>, %arg12: memref<10000x128xf32, #tpu.memory_space<vmem>>) attributes {dimension_semantics = [], scalar_prefetch = 0 : i64, scratch_operands = 0 : i64, tpu.core_type = #tpu.core_type<tc>} {
    %get3A = arith.constant 0 : index
    %get3A_0 = arith.constant 0 : index
    %get3A_1 = arith.constant 0 : index
    %get3A_2 = vector.load %arg0[%get3A, %get3A_0, %get3A_1] : memref<2x10112x128xf32, #tpu.memory_space<vmem>>, vector<1x10000x128xf32>
    %get3A_3 = vector.shape_cast %get3A_2 : vector<1x10000x128xf32> to vector<10000x128xf32>
    %get3A_4 = arith.constant 1 : index
    %get3A_5 = arith.constant 0 : index
    %get3A_6 = arith.constant 0 : index
    %get3A_7 = vector.load %arg0[%get3A_4, %get3A_5, %get3A_6] : memref<2x10112x128xf32, #tpu.memory_space<vmem>>, vector<1x10000x128xf32>
    %get3A_8 = vector.shape_cast %get3A_7 : vector<1x10000x128xf32> to vector<10000x128xf32>
    %add3A = arith.addf %get3A_3, %get3A_8 : vector<10000x128xf32>
    %get3A_9 = arith.constant 0 : index
    %get3A_10 = arith.constant 0 : index
    %get3A_11 = vector.load %arg2[%get3A_9, %get3A_10] : memref<128x128xf32, #tpu.memory_space<vmem>>, vector<128x128xf32>
    %dot_general3A = arith.constant dense<0.000000e+00> : vector<10000x128xf32>
    %dot_general3A_12 = tpu.matmul %add3A, %get3A_11, %dot_general3A {dimension_numbers = #tpu.dot_dimension_numbers<[1], [0], [0], [1], [0, 0, 1, 1], [], []>, transpose_lhs_hint = false} : vector<10000x128xf32>, vector<128x128xf32>, vector<10000x128xf32> -> vector<10000x128xf32>
    %get3A_13 = arith.constant 0 : index
    %get3A_14 = arith.constant 0 : index
    %get3A_15 = vector.load %arg3[%get3A_13, %get3A_14] : memref<1x128xf32, #tpu.memory_space<vmem>>, vector<1x128xf32>
    %add3A_16 = vector.broadcast %get3A_15 : vector<1x128xf32> to vector<10000x128xf32>
    %add3A_17 = arith.addf %dot_general3A_12, %add3A_16 : vector<10000x128xf32>
    %get3A_18 = arith.constant 0 : index
    %get3A_19 = arith.constant 0 : index
    %get3A_20 = vector.load %arg1[%get3A_18, %get3A_19] : memref<10000x128xf32, #tpu.memory_space<vmem>>, vector<10000x128xf32>
    %get3A_21 = arith.constant 0 : index
    %get3A_22 = arith.constant 0 : index
    %get3A_23 = vector.load %arg4[%get3A_21, %get3A_22] : memref<128x128xf32, #tpu.memory_space<vmem>>, vector<128x128xf32>
    %dot_general3A_24 = arith.constant dense<0.000000e+00> : vector<10000x128xf32>
    %dot_general3A_25 = tpu.matmul %get3A_20, %get3A_23, %dot_general3A_24 {dimension_numbers = #tpu.dot_dimension_numbers<[1], [0], [0], [1], [0, 0, 1, 1], [], []>, transpose_lhs_hint = false} : vector<10000x128xf32>, vector<128x128xf32>, vector<10000x128xf32> -> vector<10000x128xf32>
    %add3A_26 = arith.addf %add3A_17, %dot_general3A_25 : vector<10000x128xf32>
    %reduce_sum3A = arith.constant dense<0.000000e+00> : vector<128xf32>
    %reduce_sum3A_27 = vector.multi_reduction <add>, %add3A_26, %reduce_sum3A [0] : vector<10000x128xf32> to vector<128xf32>
    %broadcast_in_dim3A = vector.shape_cast %reduce_sum3A_27 : vector<128xf32> to vector<1x128xf32>
    %div3A = arith.constant 1.000000e+04 : f32
    %div3A_28 = vector.broadcast %div3A : f32 to vector<1x128xf32>
    %div3A_29 = arith.divf %broadcast_in_dim3A, %div3A_28 : vector<1x128xf32>
    %get3A_30 = arith.constant 0 : index
    %get3A_31 = arith.constant 0 : index
    %get3A_32 = vector.load %arg7[%get3A_30, %get3A_31] : memref<1x128xf32, #tpu.memory_space<vmem>>, vector<1x128xf32>
    %mul3A = arith.mulf %get3A_32, %div3A_29 : vector<1x128xf32>
    %sub3A = vector.broadcast %mul3A : vector<1x128xf32> to vector<10000x128xf32>
    %sub3A_33 = arith.subf %add3A_26, %sub3A : vector<10000x128xf32>
    %mul3A_34 = arith.mulf %sub3A_33, %sub3A_33 : vector<10000x128xf32>
    %reduce_sum3A_35 = arith.constant dense<0.000000e+00> : vector<128xf32>
    %reduce_sum3A_36 = vector.multi_reduction <add>, %mul3A_34, %reduce_sum3A_35 [0] : vector<10000x128xf32> to vector<128xf32>
    %broadcast_in_dim3A_37 = vector.shape_cast %reduce_sum3A_36 : vector<128xf32> to vector<1x128xf32>
    %div3A_38 = arith.constant 1.000000e+04 : f32
    %div3A_39 = vector.broadcast %div3A_38 : f32 to vector<1x128xf32>
    %div3A_40 = arith.divf %broadcast_in_dim3A_37, %div3A_39 : vector<1x128xf32>
    %add3A_41 = arith.constant 9.99999974E-6 : f32
    %add3A_42 = vector.broadcast %add3A_41 : f32 to vector<1x128xf32>
    %add3A_43 = arith.addf %div3A_40, %add3A_42 : vector<1x128xf32>
    %rsqrt3A = math.rsqrt %add3A_43 : vector<1x128xf32>
    %get3A_44 = arith.constant 0 : index
    %get3A_45 = arith.constant 0 : index
    %get3A_46 = vector.load %arg5[%get3A_44, %get3A_45] : memref<1x128xf32, #tpu.memory_space<vmem>>, vector<1x128xf32>
    %mul3A_47 = vector.broadcast %get3A_46 : vector<1x128xf32> to vector<10000x128xf32>
    %mul3A_48 = arith.mulf %mul3A_47, %sub3A_33 : vector<10000x128xf32>
    %mul3A_49 = vector.broadcast %rsqrt3A : vector<1x128xf32> to vector<10000x128xf32>
    %mul3A_50 = arith.mulf %mul3A_48, %mul3A_49 : vector<10000x128xf32>
    %get3A_51 = arith.constant 0 : index
    %get3A_52 = arith.constant 0 : index
    %get3A_53 = vector.load %arg6[%get3A_51, %get3A_52] : memref<1x128xf32, #tpu.memory_space<vmem>>, vector<1x128xf32>
    %add3A_54 = vector.broadcast %get3A_53 : vector<1x128xf32> to vector<10000x128xf32>
    %add3A_55 = arith.addf %mul3A_50, %add3A_54 : vector<10000x128xf32>
    %max3A = arith.constant 0.000000e+00 : f32
    %max3A_56 = vector.broadcast %max3A : f32 to vector<10000x128xf32>
    %max3A_57 = arith.maximumf %add3A_55, %max3A_56 : vector<10000x128xf32>
    %get3A_58 = arith.constant 0 : index
    %get3A_59 = arith.constant 0 : index
    %get3A_60 = vector.load %arg8[%get3A_58, %get3A_59] : memref<128x128xf32, #tpu.memory_space<vmem>>, vector<128x128xf32>
    %dot_general3A_61 = arith.constant dense<0.000000e+00> : vector<10000x128xf32>
    %dot_general3A_62 = tpu.matmul %max3A_57, %get3A_60, %dot_general3A_61 {dimension_numbers = #tpu.dot_dimension_numbers<[1], [0], [0], [1], [0, 0, 1, 1], [], []>, transpose_lhs_hint = false} : vector<10000x128xf32>, vector<128x128xf32>, vector<10000x128xf32> -> vector<10000x128xf32>
    %get3A_63 = arith.constant 0 : index
    %get3A_64 = arith.constant 0 : index
    %get3A_65 = vector.load %arg9[%get3A_63, %get3A_64] : memref<1x128xf32, #tpu.memory_space<vmem>>, vector<1x128xf32>
    %add3A_66 = vector.broadcast %get3A_65 : vector<1x128xf32> to vector<10000x128xf32>
    %add3A_67 = arith.addf %dot_general3A_62, %add3A_66 : vector<10000x128xf32>
    %max3A_68 = arith.constant 0.000000e+00 : f32
    %max3A_69 = vector.broadcast %max3A_68 : f32 to vector<10000x128xf32>
    %max3A_70 = arith.maximumf %add3A_67, %max3A_69 : vector<10000x128xf32>
    %get3A_71 = arith.constant 0 : index
    %get3A_72 = arith.constant 0 : index
    %get3A_73 = vector.load %arg10[%get3A_71, %get3A_72] : memref<128x128xf32, #tpu.memory_space<vmem>>, vector<128x128xf32>
    %dot_general3A_74 = arith.constant dense<0.000000e+00> : vector<10000x128xf32>
    %dot_general3A_75 = tpu.matmul %max3A_70, %get3A_73, %dot_general3A_74 {dimension_numbers = #tpu.dot_dimension_numbers<[1], [0], [0], [1], [0, 0, 1, 1], [], []>, transpose_lhs_hint = false} : vector<10000x128xf32>, vector<128x128xf32>, vector<10000x128xf32> -> vector<10000x128xf32>
    %get3A_76 = arith.constant 0 : index
    %get3A_77 = arith.constant 0 : index
    %get3A_78 = vector.load %arg11[%get3A_76, %get3A_77] : memref<1x128xf32, #tpu.memory_space<vmem>>, vector<1x128xf32>
    %add3A_79 = vector.broadcast %get3A_78 : vector<1x128xf32> to vector<10000x128xf32>
    %add3A_80 = arith.addf %dot_general3A_75, %add3A_79 : vector<10000x128xf32>
    %swap3A = arith.constant 0 : index
    %swap3A_81 = arith.constant 0 : index
    %swap3A_82 = vector.load %arg12[%swap3A, %swap3A_81] : memref<10000x128xf32, #tpu.memory_space<vmem>>, vector<10000x128xf32>
    tpu.vector_store %arg12[%swap3A, %swap3A_81], %add3A_80 {strides = array<i32>} : memref<10000x128xf32, #tpu.memory_space<vmem>>, vector<10000x128xf32>,
    return
  }
}

</mosaic_0001>

<sc_bundles>
// kernel: kernel.4.cloned.1.call-start
scs
__scs_entry_jumppad:
0x0: {  	(pc) =	sbr.rel $0x88, $3  }
0x1: {  	(tag) =	ssettag $0x0;
	lr =	simm.s32 $0x1  }
0x2: {  	[smem:$0x3F95] =	sst lr;
	_ =	strace $0xD0000000  }
0x3: {  	_ = 	snop  }
0x4: {  	_ = 	snop  }
0x5: {  	_ = 	snop  }
0x6: {  	_ = 	snop  }
0x7: {  	_ = 	snop  }
__scs_overlays_trampoline_lowered:
0x8: {  	[smem:$0x3FA4] =	sst s0  }
0x9: {  	[smem:$0x3FA5] =	sst s1  }
0xa: {  	[smem:$0x3FA6] =	sst s2  }
0xb: {  	[smem:$0x3FA7] =	sst s3  }
0xc: {  	[smem:$0x3FA8] =	sst s4  }
0xd: {  	[smem:$0x3FA9] =	sst s5  }
0xe: {  	[smem:$0x3FAA] =	sst s6  }
0xf: {  	[smem:$0x3FAB] =	sst s7  }
0x10: {  	[smem:$0x3FAC] =	sst s8  }
0x11: {  	[smem:$0x3FAD] =	sst s9;
	s0 =	simm.s32 @!p0 $0x0  }
0x12: {  	s1 =	sld [smem:$0x3F93];
	s0 =	simm.s32 @p0 $0x1  }
0x13: {  	[smem:$0x3FAE] =	sst s0;
	s0 =	simm.s32 @!p1 $0x0  }
0x14: {  	s2 =	sld [smem:$0x3F92];
	s0 =	simm.s32 @p1 $0x1  }
0x15: {  	[smem:$0x3FAF] =	sst s0;
	s0 =	simm.s32 @!p2 $0x0  }
0x16: {  	s3 =	sld [smem:$0x3FDB];
	s0 =	simm.s32 @p2 $0x1  }
0x17: {  	s4 =	simm.s32 $0x1BF5;
	[smem:$0x3FB1] =	sst s0  }
0x18: {  	s0 =	sld [smem:$0x3F94];
	_ =	swait.ge [sflag:s4], $0x0  }
0x19: {  	s7 =	sld [smem:$0x3F95]  }
0x1a: {  	s8 =	sadd.s32 $0xFFFFE003, lr  }
0x1b: {  	s9 =	sadd.s32 $0xFFFFFEF7, lr;
	s5 =	simm.s32 $0xFFFFFFFF;
	p2 =	slt.u32 s8, $0xFFFFF086  }
0x1c: {  	p1 =	slt.u32 s9, $0xF7A;
	s5 =	simm.s32 @!p2 $0x0  }
0x1d: {  	s5 =	simm.s32 @p1 $0x1;
	p0 =	seq.s32 s7, s2  }
0x1e: {  	s7 =	smul.u32 @!p0 $0xF7A, s2;
	p2 =	seq.s32 @!p0 s5, $0x0  }
0x1f: {  	s9 =	smul.u32 $0xF7A, s1;
	s8 =	simm.s32 @!p0 $0x1BF5;
	p2 =	por !p2, p0  }
0x20: {  	[sflag:s8] =	ssyncset.s32 @!p0 $0xFFFFF086;
	s6 =	sadd.s32 @!p0 s3, s7;
	s7 =	simm.s32 @!p0 $0x108  }
0x21: {  	s3 =	sadd.s32 s3, s9;
	s6 =	sadd.s32 @!p0 $0x88, s6;
	s7 =	simm.s32 @p2 $0x1082  }
0x22: {  	[simem:s7], [sflag:s8] =	dma.local @!p0 [hbm:s6], $0xF7A  }
0x23: {  	s9 =	sor.u32 $0xD0000000, s2;
	s6 =	simm.s32 $0x108;
	_ =	swait.ge @!p0 [sflag:s8], $0x0  }
0x24: {  	s3 =	sadd.s32 $0x88, s3;
	s6 =	simm.s32 @!p1 $0x1082;
	[sflag:s4] =	ssyncset.s32 $0xFFFFF086  }
0x25: {  	[simem:s6], [sflag:s4] =	dma.local [hbm:s3], $0xF7A  }
0x26: {  	[smem:$0x3F95] =	sst s1;
	(tag) =	ssettag s2;
	_ =	strace s9  }
0x27: {  	s1 =	sld [smem:$0x3FA5]  }
0x28: {  	s2 =	sld [smem:$0x3FA6]  }
0x29: {  	s4 =	sld [smem:$0x3FA8]  }
0x2a: {  	p0 =	seq.s32 s5, $0x0;
	s5 =	sld [smem:$0x3FA9]  }
0x2b: {  	s6 =	sld [smem:$0x3FAA]  }
0x2c: {  	s7 =	sld [smem:$0x3FAB]  }
0x2d: {  	s3 =	simm.s32 $0x108;
	s8 =	sld [smem:$0x3FAC]  }
0x2e: {  	s3 =	simm.s32 @!p0 $0x1082;
	s9 =	sld [smem:$0x3FAD]  }
0x2f: {  	lr =	sadd.s32 s0, s3;
	s0 =	sld [smem:$0x3FA4]  }
0x30: {  	s3 =	sld [smem:$0x3FA7]  }
0x31: {  	[smem:$0x3FB0] =	sst s10  }
0x32: {  	s10 =	sld [smem:$0x3FAE];
	_ =	sdelay $0x3  }
0x33: {  	p0 =	seq.s32 s10, $0x1;
	s10 =	sld [smem:$0x3FB0];
	_ =	sdelay $0x3  }
0x34: {  	[smem:$0x3FB0] =	sst s10  }
0x35: {  	s10 =	sld [smem:$0x3FAF];
	_ =	sdelay $0x3  }
0x36: {  	p1 =	seq.s32 s10, $0x1;
	s10 =	sld [smem:$0x3FB0];
	_ =	sdelay $0x3  }
0x37: {  	[smem:$0x3FB0] =	sst s10  }
0x38: {  	s10 =	sld [smem:$0x3FB1]  }
0x39: {  	_ = 	snop;
	(pc) =	sbr.ind lr, $3  }
0x3a: {  	_ = 	snop  }
0x3b: {  	_ = 	snop  }
0x3c: {  	p2 =	seq.s32 s10, $0x1;
	s10 =	sld [smem:$0x3FB0]  }
0x3d: {  	_ =	shalt  }
0x3e: {  	_ =	shalt  }
0x3f: {  	_ =	shalt  }
0x40: {  	_ =	shalt  }
0x41: {  	_ =	shalt  }
0x42: {  	_ =	shalt  }
0x43: {  	_ =	shalt  }
0x44: {  	_ =	shalt  }
0x45: {  	_ =	shalt  }
0x46: {  	_ =	shalt  }
0x47: {  	_ =	shalt  }
0x48: {  	_ =	shalt  }
0x49: {  	_ =	shalt  }
0x4a: {  	_ =	shalt  }
0x4b: {  	_ =	shalt  }
0x4c: {  	_ =	shalt  }
0x4d: {  	_ =	shalt  }
0x4e: {  	_ =	shalt  }
0x4f: {  	_ =	shalt  }
0x50: {  	_ =	shalt  }
0x51: {  	_ =	shalt  }
0x52: {  	_ =	shalt  }
0x53: {  	_ =	shalt  }
0x54: {  	_ =	shalt  }
0x55: {  	_ =	shalt  }
0x56: {  	_ =	shalt  }
0x57: {  	_ =	shalt  }
0x58: {  	_ =	shalt  }
0x59: {  	_ =	shalt  }
0x5a: {  	_ =	shalt  }
0x5b: {  	_ =	shalt  }
0x5c: {  	_ =	shalt  }
0x5d: {  	_ =	shalt  }
0x5e: {  	_ =	shalt  }
0x5f: {  	_ =	shalt  }
0x60: {  	_ =	shalt  }
0x61: {  	_ =	shalt  }
0x62: {  	_ =	shalt  }
0x63: {  	_ =	shalt  }
0x64: {  	_ =	shalt  }
0x65: {  	_ =	shalt  }
0x66: {  	_ =	shalt  }
0x67: {  	_ =	shalt  }
0x68: {  	_ =	shalt  }
0x69: {  	_ =	shalt  }
0x6a: {  	_ =	shalt  }
0x6b: {  	_ =	shalt  }
0x6c: {  	_ =	shalt  }
0x6d: {  	_ =	shalt  }
0x6e: {  	_ =	shalt  }
0x6f: {  	_ =	shalt  }
0x70: {  	_ =	shalt  }
0x71: {  	_ =	shalt  }
0x72: {  	_ =	shalt  }
0x73: {  	_ =	shalt  }
0x74: {  	_ =	shalt  }
0x75: {  	_ =	shalt  }
0x76: {  	_ =	shalt  }
0x77: {  	_ =	shalt  }
0x78: {  	_ =	shalt  }
0x79: {  	_ =	shalt  }
0x7a: {  	_ =	shalt  }
0x7b: {  	_ =	shalt  }
0x7c: {  	_ =	shalt  }
0x7d: {  	_ =	shalt  }
0x7e: {  	_ =	shalt  }
0x7f: {  	_ =	shalt  }
0x80: {  	_ =	shalt  }
0x81: {  	_ =	shalt  }
0x82: {  	_ =	shalt  }
0x83: {  	_ =	shalt  }
0x84: {  	_ =	shalt  }
0x85: {  	_ =	shalt  }
0x86: {  	_ =	shalt  }
0x87: {  	_ =	shalt  }
.Lfunc_end0:
.L_simem_size_0:
called_computation_lowered:
.L_overlay_start_0:
0x88: {  	s2 =	sld [smem:$0x3FD9]  }
0x89: {  	s3 =	sld [smem:$0x3FFE];
	_ =	sdelay $0x1  }
0x8a: {  	s1 =	srdreg.scid  }
0x8b: {  	s0 =	sand.u32 $0x1, s1  }
0x8c: {  	s17 =	sshll.u32 s0, $0xA;
	s2 =	sadd.s32 s3, s2  }
0x8d: {  	s2 =	sadd.s32 s2, s17  }
0x8e: {  	[smem:$0x3FBC] =	sst s2  }
0x8f: {  	_ = 	snop  }
0x90: {  	s2 =	sld [smem:$0x3FC9]  }
0x91: {  	s18 =	sld [smem:$0x3FD0];
	(tm) =	ssettm $0x1  }
0x92: {  	s4 =	sld [smem:$0x3FFB];
	_ =	sdelay $0x3  }
0x93: {  	_ =	strace s4  }
0x94: {  	s4 =	sld [smem:$0x3FFC];
	_ =	sdelay $0x3  }
0x95: {  	_ =	strace s4  }
0x96: {  	s4 =	sld [smem:$0x3FFD];
	_ =	sdelay $0x3  }
0x97: {  	_ =	strace s4  }
0x98: {  	_ =	strace $0x8FFFFFFF  }
0x99: {  	s19 =	sld [smem:$0x3FDB];
	_ =	sdelay $0x1  }
0x9a: {  	s5 =	simm.s32 $_scs_section_size  }
0x9b: {  	s6 =	simm.s32 $_size__tile_overlayer_lowered;
	s7 =	simm.s32 $_tile_overlayer_lowered  }
0x9c: {  	s22 =	simm.s32 $0x1BFF;
	s21 =	sshll.u32 s7, $0x1;
	s4 =	sadd.s32 s5, s19  }
0x9d: {  	s8 =	simm.s32 $0x0;
	s20 =	sshll.u32 s6, $0x1;
	s6 =	sadd.s32 s21, s4  }
0x9e: {  	[timem:s8], [sflag:s22] =	dma.local [hbm:s6], s20  }
0x9f: {  	_ =	swait.ge [sflag:s22], s20  }
0xa0: {  	s5 =	ssub.s32 $0x0, s20;
	[sflag:s22] =	ssyncset.done $0x0  }
0xa1: {  	[sflag:s22] =	ssyncadd.s32 s5;
	_ =	sdelay $0x1  }
0xa2: {  	s23 =	simm.s32 $0x1B8B  }
0xa3: {  	_ =	swait.ge [sflag:s23], $0x1  }
0xa4: {  	[sflag:s23] =	ssyncset.done $0x0  }
0xa5: {  	s25 =	simm.s32 $0x1B8E;
	s24 =	sld [smem:$0x3FFE];
	[sflag:s23] =	ssyncadd.s32 $0xFFFFFFFF  }
0xa6: {  	s26 =	simm.s32 $execute0_lowered;
	[smem:$0x3FD2] =	sst s25  }
0xa7: {  	s6 =	sshll.u32 s26, $0x1;
	_ =	strace $0x80000046;
	[dreg:$0x1] =	wrdreg $0xFFFFFFFF  }
0xa8: {  	s28 =	simm.s32 $_size_execute0_lowered;
	s4 =	sadd.s32 s4, s6;
	[dreg:$0x0] =	wrdreg $0x0  }
0xa9: {  	s6 =	sshll.u32 s28, $0x1;
	[dreg:$0x2] =	wrdreg s4  }
0xaa: {  	[dreg:$0x3] =	wrdreg s6  }
0xab: {  	[dreg:$0x4] =	wrdreg $0xC0  }
0xac: {  	_ =	task [dreg:s8], $0x5FFFF  }
0xad: {  	[dreg:$0x1] =	wrdreg $0xFFFFFFFF  }
0xae: {  	[dreg:$0x0] =	wrdreg $0x60  }
0xaf: {  	[dreg:$0x2] =	wrdreg s2  }
0xb0: {  	[dreg:$0x3] =	wrdreg s18  }
0xb1: {  	[dreg:$0x4] =	wrdreg s24  }
0xb2: {  	[dreg:$0x5] =	wrdreg $0x90000  }
0xb3: {  	[dreg:$0x6] =	wrdreg $0x9  }
0xb4: {  	_ =	task.clear_ibuf [dreg:s8], $0x7FFFF;
	_ =	strace $0x90000046  }
0xb5: {  	s29 =	simm.s32 $0x9;
	_ =	strace $0x80000048  }
0xb6: {  	_ =	swait.ge [sflag:s29], $0x1  }
0xb7: {  	[sflag:s29] =	ssyncadd.s32 $0xFFFFFFFF  }
0xb8: {  	_ =	strace $0x90000048  }
0xb9: {  	_ =	sfence  }
0xba: {  	s30 =	sld [smem:$0x0];
	_ =	sdelay $0x2  }
0xbb: {  	s31 =	sshll.u32 s1, $0xD;
	s1 =	sshrl.u32 s1, $0x2  }
0xbc: {  	s3 =	sand.u32 $0x4000, s31;
	s1 =	sadd.s32 s1, s30  }
0xbd: {  	s0 =	sor.u32 s3, s0;
	s1 =	sshll.u32 s1, $0x11  }
0xbe: {  	s0 =	sor.u32 s1, s0  }
0xbf: {  	s0 =	sadd.s32 $0x8F2B, s0  }
0xc0: {  	[sflag:s0] =	ssyncadd.remote.s32 $0x1  }
0xc1: {  	_ =	sfence.sel $0xFFFF  }
0xc2: {  	[dreg:$0x0] =	wrdreg $0xFFFFFFFF;
	(pc) =	sbr.abs _section_cstart, $3  }
0xc3: {  	[dreg:$0x1] =	wrdreg $0xFFFFFFFF  }
0xc4: {  	_ =	task.clear_ibuf [dreg:s8], $0x2FFFF;
	_ =	strace $0x9FFFFFFF  }
0xc5: {  	(tm) =	ssettm $0x7FFFFFFF  }
tec
execute0_lowered:
.L_overlay_start_1:
0x0: {  	(tag) =	ssettag $0x1  }
0x1: {  	s1 =	rddreg [dreg:$0x0]  }
0x2: {  	s6 =	rddreg [dreg:$0x1]  }
0x3: {  	s7 =	rddreg [dreg:$0x2]  }
0x4: {  	s0 =	srdreg.scid;
	s3 =	rddreg [dreg:$0x3];
	s4 =	simm.s32 $0x0  }
0x5: {  	s15 =	simm.s32 $0x5000;
	s5 =	sand.u32 $0x1, s0;
	s0 =	stileid.u32  }
0x6: {  	s16 =	simm.s32 $0x1;
	s17 =	simm.s32 $0x0;
	s9 =	smul.u32 $0x13C00, s0  }
0x7: {  	[smem:$0x7FF] =	sst s4;
	s2 =	sshll.u32 s5, $0x4;
	s10 =	smul.u32 $0x13C000, s5  }
0x8: {  	s5 =	ssub.s32 $0x2, s5;
	s29 =	smul.u32 $0x4F000, s0;
	s2 =	sor.u32 s0, s2  }
0x9: {  	s31 =	sshll.u32 s0, $0x6;
	s13 =	sshrl.u32 s5, $0x1;
	s8 =	smul.u32 $0x500, s2  }
0xa: {  	s2 =	rddreg [dreg:$0x4];
	_ =	strace $0x80000047;
	s12 =	sshrl.u32 s9, $0x3  }
0xb: {  	s9 =	sadd.s32 s9, s10;
	s13 =	ssub.s32 s5, s13;
	s30 =	sshrl.u32 s29, $0x2  }
0xc: {  	s10 =	simm.s32 $0x2;
	s12 =	sadd.s32 s12, s7;
	s9 =	sshrl.u32 s9, $0x3  }
0xd: {  	s14 =	sadd.s32 s30, s3;
	s11 =	sadd.s32 s8, s7;
	s9 =	sadd.s32 s9, s7  }
0xe: {  	s5 =	sadd.s32 s6, s8;
	s7 =	sadd.s32 $0xBC00, s12;
	s12 =	sor.u32 $0x1C02, s31  }
0xf: {  	s6 =	sadd.s32 $0x1C00, s11;
	s8 =	sadd.s32 $0x33400, s9;
	s9 =	smax.u32 s13, $0x1  }
0x10: {  	s11 =	simm.s32 $0x2800;
	s13 =	sshrl.u32 s14, $0x3;
	s14 =	simm.s32 $0x80  }
.LBB2_1:
0x11: {  	[tilespmem:s4], [sflag:$0x2] =	stream.linear.gather [hbm4b:s5+s4], $0x2800, $0x38;
	[tilespmem:$0x1CC00] =	vst v63  }
0x12: {  	_ =	swait.ge [sflag:s10], $0x2800  }
0x13: {  	[sflag:s10] =	ssyncset.done $0x0  }
0x14: {  	[sflag:s10] =	ssyncadd.s32 $0xFFFFD800  }
0x15: {  	[tilespmem:s11], [sflag:$0x2] =	stream.linear.gather [hbm4b:s6+s4], $0x2800, $0x38;
	[tilespmem:$0x1CC00] =	vst v63  }
0x16: {  	_ =	swait.ge [sflag:s10], $0x2800  }
0x17: {  	[sflag:s10] =	ssyncset.done $0x0  }
0x18: {  	[sflag:s10] =	ssyncadd.s32 $0xFFFFD800  }
0x19: {  	[spmem:s13], [sflag:s12] =	dma.local [hbm:s7], $0x2780  }
0x1a: {  	_ =	swait.ge [sflag:s10], $0x2780  }
0x1b: {  	[sflag:s10] =	ssyncset.done $0x0  }
0x1c: {  	[sflag:s10] =	ssyncadd.s32 $0xFFFFD880  }
0x1d: {  	s18 =	simm.s32 $0x0;
	[bflag:$0x0] =	sbarrier.arrive $0xFFFF  }
0x1e: {  	[tilespmem:s15], [sflag:$0x1] =	stream.indirect.gather [hbm4b:s1+s14], $0x80, s18, s14, $0xb8;
	[tilespmem:$0x1CC00] =	vst v63  }
0x1f: {  	_ =	swait.ge [sflag:s16], $0x4000  }
0x20: {  	[sflag:s16] =	ssyncset.done $0x0  }
0x21: {  	s31 =	simm.s32 $0x2800;
	[sflag:s16] =	ssyncadd.s32 $0xFFFFC000  }
0x22: {  	[spmem:s3] =	stream.indirect.scatter.add.f32 [tilespmem:s15], [sflag:$0x2], $0x80, s31, s14, $0xb8;
	[tilespmem:$0x1CC00] =	vst v63  }
0x23: {  	_ =	swait.ge [sflag:s10], $0x4000  }
0x24: {  	s19 =	simm.s32 $0x400;
	s18 =	simm.s32 $0x200;
	[sflag:s10] =	ssyncset.done $0x0  }
.LBB2_2:
0x25: {  	s20 =	sshra.s32 s18, $0x2  }
0x26: {  	[sflag:s10] =	ssyncadd.s32 $0xFFFFC000;
	s18 =	smov.u32 s19;
	s21 =	sadd.s32 $0x200, s19  }
0x27: {  	[tilespmem:s15], [sflag:$0x1] =	stream.indirect.gather [hbm4b:s1+s14], $0x80, s20, s14, $0xb8;
	[tilespmem:$0x1CC00] =	vst v63  }
0x28: {  	p0 =	sne.s32 s19, $0x9E00;
	_ =	swait.ge [sflag:s16], $0x4000  }
.Ltmp0:
0x29: {  	[sflag:s16] =	ssyncset.done $0x0;
	(pc) =	sbr.rel @p0 .LBB2_2-.Ltmp0, $4  }
0x2a: {  	s19 =	sadd.s32 $0x2800, s20;
	[sflag:s16] =	ssyncadd.s32 $0xFFFFC000  }
0x2b: {  	[spmem:s3] =	stream.indirect.scatter.add.f32 [tilespmem:s15], [sflag:$0x2], $0x80, s19, s14, $0xb8;
	[tilespmem:$0x1CC00] =	vst v63  }
0x2c: {  	_ =	swait.ge [sflag:s10], $0x4000  }
0x2d: {  	s19 =	smov.u32 s21;
	[sflag:s10] =	ssyncset.done $0x0  }
0x2e: {  	s18 =	sshra.s32 s18, $0x2;
	[sflag:s10] =	ssyncadd.s32 $0xFFFFC000  }
0x2f: {  	[tilespmem:s15], [sflag:$0x1] =	stream.indirect.gather [hbm4b:s1+s14], $0x80, s18, s14, $0xb8;
	[tilespmem:$0x1CC00] =	vst v63  }
0x30: {  	_ =	swait.ge [sflag:s16], $0x4000  }
0x31: {  	[sflag:s16] =	ssyncset.done $0x0  }
0x32: {  	s18 =	sadd.s32 $0x2800, s18;
	[sflag:s16] =	ssyncadd.s32 $0xFFFFC000  }
0x33: {  	[spmem:s3] =	stream.indirect.scatter.add.f32 [tilespmem:s15], [sflag:$0x2], $0x80, s18, s14, $0xb8;
	[tilespmem:$0x1CC00] =	vst v63  }
0x34: {  	_ =	swait.ge [sflag:s10], $0x4000  }
0x35: {  	s17 =	sadd.s32 $0x1, s17;
	[sflag:s10] =	ssyncset.done $0x0  }
0x36: {  	p0 =	sne.s32 s17, s9;
	[sflag:s10] =	ssyncadd.s32 $0xFFFFC000  }
.Ltmp1:
0x37: {  	[bflag:$0x0] =	sbarrier.arrive $0xFFFF;
	(pc) =	sbr.rel @p0 .LBB2_1-.Ltmp1, $4  }
0x38: {  	[hbm:s8], [sflag:s12] =	dma.local [spmem:s13], $0x2780  }
0x39: {  	_ =	swait.ge [sflag:s10], $0x2780  }
0x3a: {  	[sflag:s10] =	ssyncset.done $0x0  }
0x3b: {  	[sflag:s10] =	ssyncadd.s32 $0xFFFFD880  }
0x3c: {  	_ =	sfence.sel $0x180000  }
0x3d: {  	[bflag:$0x0] =	sbarrier.arrive $0xFFFF  }
0x3e: {  	p0 =	sne.s32 s0, $0x0;
	_ =	strace $0x90000047  }
0x3f: {  	s0 =	sadd.s32 @!p0 $0x100000, s2;
	[bflag:$0x2] =	sbarrier.arrive $0xFFFF  }
0x40: {  	[sflag:s0] =	ssyncadd.tile.s32 @!p0 $0x1;
	_ =	shalt  }
.Lfunc_end2:
_tile_overlayer_lowered:
.L_overlay_start_2:
0x41: {  	(tag) =	ssettag $0x2  }
0x42: {  	s0 =	rddreg [dreg:$0x0];
	s2 =	stileid.u32  }
0x43: {  	s1 =	rddreg [dreg:$0x1];
	p0 =	sne.s32 s2, $0x0  }
0x44: {  	s3 =	rddreg [dreg:$0x2];
	[bflag:$0x3] =	sbarrier.arrive $0xFFFF;
	s2 =	simm.s32 @!p0 $0x1C02  }
0x45: {  	[timem:s3], [sflag:s2] =	dma.local @!p0 [hbm:s0], s1  }
0x46: {  	s0 =	simm.s32 @!p0 $0x2  }
0x47: {  	_ =	swait.ge @!p0 [sflag:s0], s1  }
0x48: {  	s1 =	ssub.s32 @!p0 $0x0, s1;
	[sflag:s0] =	ssyncset.done @!p0 $0x0  }
0x49: {  	[sflag:s0] =	ssyncadd.s32 @!p0 s1  }
0x4a: {  	[bflag:$0x3] =	sbarrier.arrive $0xFFFF  }
0x4b: {  	_ =	shalt  }

</sc_bundles>
